<compile_context>
chip_gen: v7x
topology: tpu7x:2x2x1
jax: 0.10.2.dev20260603
libtpu: 0.0.44.dev20260713+nightly
codegen_flags: <defaults>
</compile_context>

<pallas_src>
import functools

import jax
import jax.numpy as jnp
from jax import lax
from jax.experimental import pallas as pl
from jax.experimental.pallas import tpu as pltpu
from jax.experimental.pallas import tpu_sc as plsc

_CHUNK_ROWS = 8
_NBUF = 7


def _make_sc_copy(rows: int, d_model: int, dtype):
    info = plsc.get_sparse_core_info()
    nw = info.num_cores * info.num_subcores
    rows_per_w = rows // nw
    ch = min(_CHUNK_ROWS, rows_per_w)
    nchunks = rows_per_w // ch
    nbuf = min(_NBUF, nchunks)
    mesh = plsc.VectorSubcoreMesh(core_axis_name="c", subcore_axis_name="s")

    @functools.partial(
        pl.kernel,
        mesh=mesh,
        out_type=jax.ShapeDtypeStruct((rows, d_model), dtype),
        scratch_types=[
            pltpu.VMEM((nbuf, ch, d_model), dtype),
            pltpu.SemaphoreType.DMA((nbuf,)),
            pltpu.SemaphoreType.DMA((nbuf,)),
        ],
    )
    def copy_k(w_hbm, out_hbm, buf, in_sems, out_sems):
        wid = lax.axis_index("s") * info.num_cores + lax.axis_index("c")
        base = wid * rows_per_w

        def in_cp(i, s):
            return pltpu.make_async_copy(
                w_hbm.at[pl.ds(base + i * ch, ch)], buf.at[s], in_sems.at[s]
            )

        def out_cp(i, s):
            return pltpu.make_async_copy(
                buf.at[s], out_hbm.at[pl.ds(base + i * ch, ch)], out_sems.at[s]
            )

        for b in range(nbuf):
            in_cp(b, b).start()

        def body(i, carry):
            s = lax.rem(i, nbuf)
            in_cp(i, s).wait()
            out_cp(i, s).start()

            @pl.when(i + nbuf < nchunks)
            def _():
                out_cp(i, s).wait()
                in_cp(i + nbuf, s).start()

            return carry

        lax.fori_loop(0, nchunks, body, 0)
        for i in range(max(0, nchunks - nbuf), nchunks):
            out_cp(i, i % nbuf).wait()

    return copy_k


def kernel(x, W):
    b, seq_len = x.shape
    out = _make_sc_copy(seq_len, W.shape[1], W.dtype)(W)
    return out[None]

# --- scband reference (transcript-rebuilt; emitter-appended) ---
"""Pipeline reference for scband-positional-embedding-4415226380775 (READ-ONLY COPY).

The authoritative reference and input builder live on the scoring server;
editing this copy changes nothing except your own understanding.
"""

import jax, jax.numpy as jnp
import numpy as np

MAX_LEN = 8192
D_MODEL = 2048
BATCH = 4
SEQ_LEN = 4096

def setup_inputs(seed: int = 0) -> dict:
    key = jax.random.key(seed)
    k1, k2 = jax.random.split(key)
    x = jax.random.randint(k1, (BATCH, SEQ_LEN), 0, MAX_LEN, dtype=jnp.int64 if jax.config.jax_enable_x64 else jnp.int32)
    W = jax.random.normal(k2, (MAX_LEN, D_MODEL), dtype=jnp.float32) * 0.02
    return {"x": x, "W": W}

def reference(x, W):
    # PositionalEmbedding.forward: uses only x's shape
    b, seq_len = x.shape
    positions = jnp.arange(seq_len)[None, :]  # [1, seq_len]
    out = jnp.take(W, positions, axis=0)      # [1, seq_len, d_model]
    return out

if __name__ == "__main__":
    import jax
    _d = setup_inputs()
    print(jax.jit(kernel)(*tuple(_d.values())))

</pallas_src>

<mosaic_0001>
#map = affine_map<(d0, d1) -> (0, 0)>
module attributes {stable_mosaic.version = 14 : i64} {
  func.func @copy_k(%arg0: i32, %arg1: i32, %arg2: memref<8192x2048xf32, #tpu.memory_space<hbm>>, %arg3: memref<4096x2048xf32, #tpu.memory_space<hbm>>, %arg4: memref<7x8x2048xf32, #tpu.memory_space<vmem>>, %arg5: memref<7x!tpu.dma_semaphore, #tpu.memory_space<semaphore_mem>>, %arg6: memref<7x!tpu.dma_semaphore, #tpu.memory_space<semaphore_mem>>) attributes {dimension_semantics = [#tpu.dimension_semantics<core_parallel>, #tpu.dimension_semantics<subcore_parallel>], iteration_bounds = array<i64: 2, 16>, scalar_prefetch = 0 : i64, scratch_operands = 3 : i64, tpu.core_type = #tpu.core_type<sc_vector_subcore>, window_params = [{transform_indices = #map}, {transform_indices = #map}]} {
    %mul3A = arith.constant 2 : i32
    %mul3A_0 = arith.muli %arg1, %mul3A : i32
    %add3A = arith.addi %mul3A_0, %arg0 : i32
    %mul3A_1 = arith.constant 128 : i32
    %mul3A_2 = arith.muli %add3A, %mul3A_1 : i32
    %add3A_3 = arith.constant 0 : i32
    %add3A_4 = arith.addi %mul3A_2, %add3A_3 : i32
    %dma_start3A = arith.constant 0 : i32
    %dma_start3A_5 = arith.constant 0 : i32
    %dma_start3A_6 = arith.constant 0 : i32
    %dma_start3A_7 = arith.constant 0 : i32
    %dma_start3A_8 = tpu.memref_slice %arg4[%dma_start3A, %dma_start3A_6, %dma_start3A_7] : memref<7x8x2048xf32, #tpu.memory_space<vmem>> -> memref<1x8x2048xf32, #tpu.memory_space<vmem>>
    %dma_start3A_9 = tpu.memref_squeeze %dma_start3A_8 : memref<1x8x2048xf32, #tpu.memory_space<vmem>> -> memref<8x2048xf32, #tpu.memory_space<vmem>>
    %dma_start3A_10 = arith.constant 0 : i32
    %dma_start3A_11 = tpu.memref_slice %arg2[%add3A_4, %dma_start3A_10] : memref<8192x2048xf32, #tpu.memory_space<hbm>> -> memref<8x2048xf32, #tpu.memory_space<hbm>>
    %dma_start3A_12 = tpu.memref_slice %arg5[%dma_start3A_5] : memref<7x!tpu.dma_semaphore, #tpu.memory_space<semaphore_mem>> -> memref<1x!tpu.dma_semaphore, #tpu.memory_space<semaphore_mem>>
    %dma_start3A_13 = tpu.memref_squeeze %dma_start3A_12 : memref<1x!tpu.dma_semaphore, #tpu.memory_space<semaphore_mem>> -> memref<!tpu.dma_semaphore, #tpu.memory_space<semaphore_mem>>
    %dma_start3A_14 = arith.constant 0 : i32
    %dma_start3A_15 = arith.constant 0 : i32
    %dma_start3A_16 = tpu.memref_slice %arg4[%dma_start3A, %dma_start3A_14, %dma_start3A_15] : memref<7x8x2048xf32, #tpu.memory_space<vmem>> -> memref<1x8x2048xf32, #tpu.memory_space<vmem>>
    %dma_start3A_17 = tpu.memref_squeeze %dma_start3A_16 : memref<1x8x2048xf32, #tpu.memory_space<vmem>> -> memref<8x2048xf32, #tpu.memory_space<vmem>>
    %dma_start3A_18 = arith.constant 0 : i32
    %dma_start3A_19 = tpu.memref_slice %arg2[%add3A_4, %dma_start3A_18] : memref<8192x2048xf32, #tpu.memory_space<hbm>> -> memref<8x2048xf32, #tpu.memory_space<hbm>>
    tpu.enqueue_dma source(%dma_start3A_19 : memref<8x2048xf32, #tpu.memory_space<hbm>>) target(%dma_start3A_17 : memref<8x2048xf32, #tpu.memory_space<vmem>>) target_semaphore(%dma_start3A_13 : memref<!tpu.dma_semaphore, #tpu.memory_space<semaphore_mem>>)
    %add3A_20 = arith.constant 8 : i32
    %add3A_21 = arith.addi %mul3A_2, %add3A_20 : i32
    %dma_start3A_22 = arith.constant 1 : i32
    %dma_start3A_23 = arith.constant 1 : i32
    %dma_start3A_24 = arith.constant 0 : i32
    %dma_start3A_25 = arith.constant 0 : i32
    %dma_start3A_26 = tpu.memref_slice %arg4[%dma_start3A_22, %dma_start3A_24, %dma_start3A_25] : memref<7x8x2048xf32, #tpu.memory_space<vmem>> -> memref<1x8x2048xf32, #tpu.memory_space<vmem>>
    %dma_start3A_27 = tpu.memref_squeeze %dma_start3A_26 : memref<1x8x2048xf32, #tpu.memory_space<vmem>> -> memref<8x2048xf32, #tpu.memory_space<vmem>>
    %dma_start3A_28 = arith.constant 0 : i32
    %dma_start3A_29 = tpu.memref_slice %arg2[%add3A_21, %dma_start3A_28] : memref<8192x2048xf32, #tpu.memory_space<hbm>> -> memref<8x2048xf32, #tpu.memory_space<hbm>>
    %dma_start3A_30 = tpu.memref_slice %arg5[%dma_start3A_23] : memref<7x!tpu.dma_semaphore, #tpu.memory_space<semaphore_mem>> -> memref<1x!tpu.dma_semaphore, #tpu.memory_space<semaphore_mem>>
    %dma_start3A_31 = tpu.memref_squeeze %dma_start3A_30 : memref<1x!tpu.dma_semaphore, #tpu.memory_space<semaphore_mem>> -> memref<!tpu.dma_semaphore, #tpu.memory_space<semaphore_mem>>
    %dma_start3A_32 = arith.constant 0 : i32
    %dma_start3A_33 = arith.constant 0 : i32
    %dma_start3A_34 = tpu.memref_slice %arg4[%dma_start3A_22, %dma_start3A_32, %dma_start3A_33] : memref<7x8x2048xf32, #tpu.memory_space<vmem>> -> memref<1x8x2048xf32, #tpu.memory_space<vmem>>
    %dma_start3A_35 = tpu.memref_squeeze %dma_start3A_34 : memref<1x8x2048xf32, #tpu.memory_space<vmem>> -> memref<8x2048xf32, #tpu.memory_space<vmem>>
    %dma_start3A_36 = arith.constant 0 : i32
    %dma_start3A_37 = tpu.memref_slice %arg2[%add3A_21, %dma_start3A_36] : memref<8192x2048xf32, #tpu.memory_space<hbm>> -> memref<8x2048xf32, #tpu.memory_space<hbm>>
    tpu.enqueue_dma source(%dma_start3A_37 : memref<8x2048xf32, #tpu.memory_space<hbm>>) target(%dma_start3A_35 : memref<8x2048xf32, #tpu.memory_space<vmem>>) target_semaphore(%dma_start3A_31 : memref<!tpu.dma_semaphore, #tpu.memory_space<semaphore_mem>>)
    %add3A_38 = arith.constant 16 : i32
    %add3A_39 = arith.addi %mul3A_2, %add3A_38 : i32
    %dma_start3A_40 = arith.constant 2 : i32
    %dma_start3A_41 = arith.constant 2 : i32
    %dma_start3A_42 = arith.constant 0 : i32
    %dma_start3A_43 = arith.constant 0 : i32
    %dma_start3A_44 = tpu.memref_slice %arg4[%dma_start3A_40, %dma_start3A_42, %dma_start3A_43] : memref<7x8x2048xf32, #tpu.memory_space<vmem>> -> memref<1x8x2048xf32, #tpu.memory_space<vmem>>
    %dma_start3A_45 = tpu.memref_squeeze %dma_start3A_44 : memref<1x8x2048xf32, #tpu.memory_space<vmem>> -> memref<8x2048xf32, #tpu.memory_space<vmem>>
    %dma_start3A_46 = arith.constant 0 : i32
    %dma_start3A_47 = tpu.memref_slice %arg2[%add3A_39, %dma_start3A_46] : memref<8192x2048xf32, #tpu.memory_space<hbm>> -> memref<8x2048xf32, #tpu.memory_space<hbm>>
    %dma_start3A_48 = tpu.memref_slice %arg5[%dma_start3A_41] : memref<7x!tpu.dma_semaphore, #tpu.memory_space<semaphore_mem>> -> memref<1x!tpu.dma_semaphore, #tpu.memory_space<semaphore_mem>>
    %dma_start3A_49 = tpu.memref_squeeze %dma_start3A_48 : memref<1x!tpu.dma_semaphore, #tpu.memory_space<semaphore_mem>> -> memref<!tpu.dma_semaphore, #tpu.memory_space<semaphore_mem>>
    %dma_start3A_50 = arith.constant 0 : i32
    %dma_start3A_51 = arith.constant 0 : i32
    %dma_start3A_52 = tpu.memref_slice %arg4[%dma_start3A_40, %dma_start3A_50, %dma_start3A_51] : memref<7x8x2048xf32, #tpu.memory_space<vmem>> -> memref<1x8x2048xf32, #tpu.memory_space<vmem>>
    %dma_start3A_53 = tpu.memref_squeeze %dma_start3A_52 : memref<1x8x2048xf32, #tpu.memory_space<vmem>> -> memref<8x2048xf32, #tpu.memory_space<vmem>>
    %dma_start3A_54 = arith.constant 0 : i32
    %dma_start3A_55 = tpu.memref_slice %arg2[%add3A_39, %dma_start3A_54] : memref<8192x2048xf32, #tpu.memory_space<hbm>> -> memref<8x2048xf32, #tpu.memory_space<hbm>>
    tpu.enqueue_dma source(%dma_start3A_55 : memref<8x2048xf32, #tpu.memory_space<hbm>>) target(%dma_start3A_53 : memref<8x2048xf32, #tpu.memory_space<vmem>>) target_semaphore(%dma_start3A_49 : memref<!tpu.dma_semaphore, #tpu.memory_space<semaphore_mem>>)
    %add3A_56 = arith.constant 24 : i32
    %add3A_57 = arith.addi %mul3A_2, %add3A_56 : i32
    %dma_start3A_58 = arith.constant 3 : i32
    %dma_start3A_59 = arith.constant 3 : i32
    %dma_start3A_60 = arith.constant 0 : i32
    %dma_start3A_61 = arith.constant 0 : i32
    %dma_start3A_62 = tpu.memref_slice %arg4[%dma_start3A_58, %dma_start3A_60, %dma_start3A_61] : memref<7x8x2048xf32, #tpu.memory_space<vmem>> -> memref<1x8x2048xf32, #tpu.memory_space<vmem>>
    %dma_start3A_63 = tpu.memref_squeeze %dma_start3A_62 : memref<1x8x2048xf32, #tpu.memory_space<vmem>> -> memref<8x2048xf32, #tpu.memory_space<vmem>>
    %dma_start3A_64 = arith.constant 0 : i32
    %dma_start3A_65 = tpu.memref_slice %arg2[%add3A_57, %dma_start3A_64] : memref<8192x2048xf32, #tpu.memory_space<hbm>> -> memref<8x2048xf32, #tpu.memory_space<hbm>>
    %dma_start3A_66 = tpu.memref_slice %arg5[%dma_start3A_59] : memref<7x!tpu.dma_semaphore, #tpu.memory_space<semaphore_mem>> -> memref<1x!tpu.dma_semaphore, #tpu.memory_space<semaphore_mem>>
    %dma_start3A_67 = tpu.memref_squeeze %dma_start3A_66 : memref<1x!tpu.dma_semaphore, #tpu.memory_space<semaphore_mem>> -> memref<!tpu.dma_semaphore, #tpu.memory_space<semaphore_mem>>
    %dma_start3A_68 = arith.constant 0 : i32
    %dma_start3A_69 = arith.constant 0 : i32
    %dma_start3A_70 = tpu.memref_slice %arg4[%dma_start3A_58, %dma_start3A_68, %dma_start3A_69] : memref<7x8x2048xf32, #tpu.memory_space<vmem>> -> memref<1x8x2048xf32, #tpu.memory_space<vmem>>
    %dma_start3A_71 = tpu.memref_squeeze %dma_start3A_70 : memref<1x8x2048xf32, #tpu.memory_space<vmem>> -> memref<8x2048xf32, #tpu.memory_space<vmem>>
    %dma_start3A_72 = arith.constant 0 : i32
    %dma_start3A_73 = tpu.memref_slice %arg2[%add3A_57, %dma_start3A_72] : memref<8192x2048xf32, #tpu.memory_space<hbm>> -> memref<8x2048xf32, #tpu.memory_space<hbm>>
    tpu.enqueue_dma source(%dma_start3A_73 : memref<8x2048xf32, #tpu.memory_space<hbm>>) target(%dma_start3A_71 : memref<8x2048xf32, #tpu.memory_space<vmem>>) target_semaphore(%dma_start3A_67 : memref<!tpu.dma_semaphore, #tpu.memory_space<semaphore_mem>>)
    %add3A_74 = arith.constant 32 : i32
    %add3A_75 = arith.addi %mul3A_2, %add3A_74 : i32
    %dma_start3A_76 = arith.constant 4 : i32
    %dma_start3A_77 = arith.constant 4 : i32
    %dma_start3A_78 = arith.constant 0 : i32
    %dma_start3A_79 = arith.constant 0 : i32
    %dma_start3A_80 = tpu.memref_slice %arg4[%dma_start3A_76, %dma_start3A_78, %dma_start3A_79] : memref<7x8x2048xf32, #tpu.memory_space<vmem>> -> memref<1x8x2048xf32, #tpu.memory_space<vmem>>
    %dma_start3A_81 = tpu.memref_squeeze %dma_start3A_80 : memref<1x8x2048xf32, #tpu.memory_space<vmem>> -> memref<8x2048xf32, #tpu.memory_space<vmem>>
    %dma_start3A_82 = arith.constant 0 : i32
    %dma_start3A_83 = tpu.memref_slice %arg2[%add3A_75, %dma_start3A_82] : memref<8192x2048xf32, #tpu.memory_space<hbm>> -> memref<8x2048xf32, #tpu.memory_space<hbm>>
    %dma_start3A_84 = tpu.memref_slice %arg5[%dma_start3A_77] : memref<7x!tpu.dma_semaphore, #tpu.memory_space<semaphore_mem>> -> memref<1x!tpu.dma_semaphore, #tpu.memory_space<semaphore_mem>>
    %dma_start3A_85 = tpu.memref_squeeze %dma_start3A_84 : memref<1x!tpu.dma_semaphore, #tpu.memory_space<semaphore_mem>> -> memref<!tpu.dma_semaphore, #tpu.memory_space<semaphore_mem>>
    %dma_start3A_86 = arith.constant 0 : i32
    %dma_start3A_87 = arith.constant 0 : i32
    %dma_start3A_88 = tpu.memref_slice %arg4[%dma_start3A_76, %dma_start3A_86, %dma_start3A_87] : memref<7x8x2048xf32, #tpu.memory_space<vmem>> -> memref<1x8x2048xf32, #tpu.memory_space<vmem>>
    %dma_start3A_89 = tpu.memref_squeeze %dma_start3A_88 : memref<1x8x2048xf32, #tpu.memory_space<vmem>> -> memref<8x2048xf32, #tpu.memory_space<vmem>>
    %dma_start3A_90 = arith.constant 0 : i32
    %dma_start3A_91 = tpu.memref_slice %arg2[%add3A_75, %dma_start3A_90] : memref<8192x2048xf32, #tpu.memory_space<hbm>> -> memref<8x2048xf32, #tpu.memory_space<hbm>>
    tpu.enqueue_dma source(%dma_start3A_91 : memref<8x2048xf32, #tpu.memory_space<hbm>>) target(%dma_start3A_89 : memref<8x2048xf32, #tpu.memory_space<vmem>>) target_semaphore(%dma_start3A_85 : memref<!tpu.dma_semaphore, #tpu.memory_space<semaphore_mem>>)
    %add3A_92 = arith.constant 40 : i32
    %add3A_93 = arith.addi %mul3A_2, %add3A_92 : i32
    %dma_start3A_94 = arith.constant 5 : i32
    %dma_start3A_95 = arith.constant 5 : i32
    %dma_start3A_96 = arith.constant 0 : i32
    %dma_start3A_97 = arith.constant 0 : i32
    %dma_start3A_98 = tpu.memref_slice %arg4[%dma_start3A_94, %dma_start3A_96, %dma_start3A_97] : memref<7x8x2048xf32, #tpu.memory_space<vmem>> -> memref<1x8x2048xf32, #tpu.memory_space<vmem>>
    %dma_start3A_99 = tpu.memref_squeeze %dma_start3A_98 : memref<1x8x2048xf32, #tpu.memory_space<vmem>> -> memref<8x2048xf32, #tpu.memory_space<vmem>>
    %dma_start3A_100 = arith.constant 0 : i32
    %dma_start3A_101 = tpu.memref_slice %arg2[%add3A_93, %dma_start3A_100] : memref<8192x2048xf32, #tpu.memory_space<hbm>> -> memref<8x2048xf32, #tpu.memory_space<hbm>>
    %dma_start3A_102 = tpu.memref_slice %arg5[%dma_start3A_95] : memref<7x!tpu.dma_semaphore, #tpu.memory_space<semaphore_mem>> -> memref<1x!tpu.dma_semaphore, #tpu.memory_space<semaphore_mem>>
    %dma_start3A_103 = tpu.memref_squeeze %dma_start3A_102 : memref<1x!tpu.dma_semaphore, #tpu.memory_space<semaphore_mem>> -> memref<!tpu.dma_semaphore, #tpu.memory_space<semaphore_mem>>
    %dma_start3A_104 = arith.constant 0 : i32
    %dma_start3A_105 = arith.constant 0 : i32
    %dma_start3A_106 = tpu.memref_slice %arg4[%dma_start3A_94, %dma_start3A_104, %dma_start3A_105] : memref<7x8x2048xf32, #tpu.memory_space<vmem>> -> memref<1x8x2048xf32, #tpu.memory_space<vmem>>
    %dma_start3A_107 = tpu.memref_squeeze %dma_start3A_106 : memref<1x8x2048xf32, #tpu.memory_space<vmem>> -> memref<8x2048xf32, #tpu.memory_space<vmem>>
    %dma_start3A_108 = arith.constant 0 : i32
    %dma_start3A_109 = tpu.memref_slice %arg2[%add3A_93, %dma_start3A_108] : memref<8192x2048xf32, #tpu.memory_space<hbm>> -> memref<8x2048xf32, #tpu.memory_space<hbm>>
    tpu.enqueue_dma source(%dma_start3A_109 : memref<8x2048xf32, #tpu.memory_space<hbm>>) target(%dma_start3A_107 : memref<8x2048xf32, #tpu.memory_space<vmem>>) target_semaphore(%dma_start3A_103 : memref<!tpu.dma_semaphore, #tpu.memory_space<semaphore_mem>>)
    %add3A_110 = arith.constant 48 : i32
    %add3A_111 = arith.addi %mul3A_2, %add3A_110 : i32
    %dma_start3A_112 = arith.constant 6 : i32
    %dma_start3A_113 = arith.constant 6 : i32
    %dma_start3A_114 = arith.constant 0 : i32
    %dma_start3A_115 = arith.constant 0 : i32
    %dma_start3A_116 = tpu.memref_slice %arg4[%dma_start3A_112, %dma_start3A_114, %dma_start3A_115] : memref<7x8x2048xf32, #tpu.memory_space<vmem>> -> memref<1x8x2048xf32, #tpu.memory_space<vmem>>
    %dma_start3A_117 = tpu.memref_squeeze %dma_start3A_116 : memref<1x8x2048xf32, #tpu.memory_space<vmem>> -> memref<8x2048xf32, #tpu.memory_space<vmem>>
    %dma_start3A_118 = arith.constant 0 : i32
    %dma_start3A_119 = tpu.memref_slice %arg2[%add3A_111, %dma_start3A_118] : memref<8192x2048xf32, #tpu.memory_space<hbm>> -> memref<8x2048xf32, #tpu.memory_space<hbm>>
    %dma_start3A_120 = tpu.memref_slice %arg5[%dma_start3A_113] : memref<7x!tpu.dma_semaphore, #tpu.memory_space<semaphore_mem>> -> memref<1x!tpu.dma_semaphore, #tpu.memory_space<semaphore_mem>>
    %dma_start3A_121 = tpu.memref_squeeze %dma_start3A_120 : memref<1x!tpu.dma_semaphore, #tpu.memory_space<semaphore_mem>> -> memref<!tpu.dma_semaphore, #tpu.memory_space<semaphore_mem>>
    %dma_start3A_122 = arith.constant 0 : i32
    %dma_start3A_123 = arith.constant 0 : i32
    %dma_start3A_124 = tpu.memref_slice %arg4[%dma_start3A_112, %dma_start3A_122, %dma_start3A_123] : memref<7x8x2048xf32, #tpu.memory_space<vmem>> -> memref<1x8x2048xf32, #tpu.memory_space<vmem>>
    %dma_start3A_125 = tpu.memref_squeeze %dma_start3A_124 : memref<1x8x2048xf32, #tpu.memory_space<vmem>> -> memref<8x2048xf32, #tpu.memory_space<vmem>>
    %dma_start3A_126 = arith.constant 0 : i32
    %dma_start3A_127 = tpu.memref_slice %arg2[%add3A_111, %dma_start3A_126] : memref<8192x2048xf32, #tpu.memory_space<hbm>> -> memref<8x2048xf32, #tpu.memory_space<hbm>>
    tpu.enqueue_dma source(%dma_start3A_127 : memref<8x2048xf32, #tpu.memory_space<hbm>>) target(%dma_start3A_125 : memref<8x2048xf32, #tpu.memory_space<vmem>>) target_semaphore(%dma_start3A_121 : memref<!tpu.dma_semaphore, #tpu.memory_space<semaphore_mem>>)
    %scan3A = arith.constant 0 : i32
    %scan3A_128 = arith.constant 0 : i32
    %scan3A_129 = arith.constant 16 : i32
    %scan3A_130 = arith.addi %scan3A_128, %scan3A_129 : i32
    %scan3A_131 = arith.constant 1 : i32
    scf.for %scan3A_258 = %scan3A_128 to %scan3A_130 step %scan3A_131  : i32 {
      %rem3A = arith.constant 7 : i32
      %rem3A_259 = arith.remsi %scan3A_258, %rem3A : i32
      %mul3A_260 = arith.constant 8 : i32
      %mul3A_261 = arith.muli %scan3A_258, %mul3A_260 : i32
      %add3A_262 = arith.addi %mul3A_2, %mul3A_261 : i32
      %dma_wait3A_263 = arith.constant 0 : i32
      %dma_wait3A_264 = arith.constant 0 : i32
      %dma_wait3A_265 = tpu.memref_slice %arg4[%rem3A_259, %dma_wait3A_263, %dma_wait3A_264] : memref<7x8x2048xf32, #tpu.memory_space<vmem>> -> memref<1x8x2048xf32, #tpu.memory_space<vmem>>
      %dma_wait3A_266 = tpu.memref_squeeze %dma_wait3A_265 : memref<1x8x2048xf32, #tpu.memory_space<vmem>> -> memref<8x2048xf32, #tpu.memory_space<vmem>>
      %dma_wait3A_267 = arith.constant 0 : i32
      %dma_wait3A_268 = tpu.memref_slice %arg2[%add3A_262, %dma_wait3A_267] : memref<8192x2048xf32, #tpu.memory_space<hbm>> -> memref<8x2048xf32, #tpu.memory_space<hbm>>
      %dma_wait3A_269 = tpu.memref_slice %arg5[%rem3A_259] : memref<7x!tpu.dma_semaphore, #tpu.memory_space<semaphore_mem>> -> memref<1x!tpu.dma_semaphore, #tpu.memory_space<semaphore_mem>>
      %dma_wait3A_270 = tpu.memref_squeeze %dma_wait3A_269 : memref<1x!tpu.dma_semaphore, #tpu.memory_space<semaphore_mem>> -> memref<!tpu.dma_semaphore, #tpu.memory_space<semaphore_mem>>
      %dma_wait3A_271 = arith.constant 0 : i32
      %dma_wait3A_272 = arith.constant 0 : i32
      %dma_wait3A_273 = tpu.memref_slice %arg4[%rem3A_259, %dma_wait3A_271, %dma_wait3A_272] : memref<7x8x2048xf32, #tpu.memory_space<vmem>> -> memref<1x8x2048xf32, #tpu.memory_space<vmem>>
      %dma_wait3A_274 = tpu.memref_squeeze %dma_wait3A_273 : memref<1x8x2048xf32, #tpu.memory_space<vmem>> -> memref<8x2048xf32, #tpu.memory_space<vmem>>
      %dma_wait3A_275 = arith.constant 0 : i32
      %dma_wait3A_276 = tpu.memref_slice %arg2[%add3A_262, %dma_wait3A_275] : memref<8192x2048xf32, #tpu.memory_space<hbm>> -> memref<8x2048xf32, #tpu.memory_space<hbm>>
      tpu.wait_dma2 semaphore(%dma_wait3A_270 : memref<!tpu.dma_semaphore, #tpu.memory_space<semaphore_mem>>) src(%dma_wait3A_276 : memref<8x2048xf32, #tpu.memory_space<hbm>>) dst(%dma_wait3A_274 : memref<8x2048xf32, #tpu.memory_space<vmem>>)
      %mul3A_277 = arith.constant 8 : i32
      %mul3A_278 = arith.muli %scan3A_258, %mul3A_277 : i32
      %add3A_279 = arith.addi %mul3A_2, %mul3A_278 : i32
      %dma_start3A_280 = arith.constant 0 : i32
      %dma_start3A_281 = arith.constant 0 : i32
      %dma_start3A_282 = tpu.memref_slice %arg4[%rem3A_259, %dma_start3A_280, %dma_start3A_281] : memref<7x8x2048xf32, #tpu.memory_space<vmem>> -> memref<1x8x2048xf32, #tpu.memory_space<vmem>>
      %dma_start3A_283 = tpu.memref_squeeze %dma_start3A_282 : memref<1x8x2048xf32, #tpu.memory_space<vmem>> -> memref<8x2048xf32, #tpu.memory_space<vmem>>
      %dma_start3A_284 = arith.constant 0 : i32
      %dma_start3A_285 = tpu.memref_slice %arg3[%add3A_279, %dma_start3A_284] : memref<4096x2048xf32, #tpu.memory_space<hbm>> -> memref<8x2048xf32, #tpu.memory_space<hbm>>
      %dma_start3A_286 = tpu.memref_slice %arg6[%rem3A_259] : memref<7x!tpu.dma_semaphore, #tpu.memory_space<semaphore_mem>> -> memref<1x!tpu.dma_semaphore, #tpu.memory_space<semaphore_mem>>
      %dma_start3A_287 = tpu.memref_squeeze %dma_start3A_286 : memref<1x!tpu.dma_semaphore, #tpu.memory_space<semaphore_mem>> -> memref<!tpu.dma_semaphore, #tpu.memory_space<semaphore_mem>>
      %dma_start3A_288 = arith.constant 0 : i32
      %dma_start3A_289 = tpu.memref_slice %arg3[%add3A_279, %dma_start3A_288] : memref<4096x2048xf32, #tpu.memory_space<hbm>> -> memref<8x2048xf32, #tpu.memory_space<hbm>>
      %dma_start3A_290 = arith.constant 0 : i32
      %dma_start3A_291 = arith.constant 0 : i32
      %dma_start3A_292 = tpu.memref_slice %arg4[%rem3A_259, %dma_start3A_290, %dma_start3A_291] : memref<7x8x2048xf32, #tpu.memory_space<vmem>> -> memref<1x8x2048xf32, #tpu.memory_space<vmem>>
      %dma_start3A_293 = tpu.memref_squeeze %dma_start3A_292 : memref<1x8x2048xf32, #tpu.memory_space<vmem>> -> memref<8x2048xf32, #tpu.memory_space<vmem>>
      tpu.enqueue_dma source(%dma_start3A_293 : memref<8x2048xf32, #tpu.memory_space<vmem>>) target(%dma_start3A_289 : memref<8x2048xf32, #tpu.memory_space<hbm>>) target_semaphore(%dma_start3A_287 : memref<!tpu.dma_semaphore, #tpu.memory_space<semaphore_mem>>)
      %add3A_294 = arith.constant 7 : i32
      %add3A_295 = arith.addi %scan3A_258, %add3A_294 : i32
      %lt3A = arith.constant 16 : i32
      %lt3A_296 = arith.cmpi slt, %add3A_295, %lt3A : i32
      %convert_element_type3A = arith.extui %lt3A_296 : i1 to i32
      %cond3A = arith.constant 0 : i32
      %cond3A_297 = arith.cmpi ne, %convert_element_type3A, %cond3A : i32
      scf.if %cond3A_297 {
        %mul3A_298 = arith.constant 8 : i32
        %mul3A_299 = arith.muli %scan3A_258, %mul3A_298 : i32
        %add3A_300 = arith.addi %mul3A_2, %mul3A_299 : i32
        %dma_wait3A_301 = arith.constant 0 : i32
        %dma_wait3A_302 = arith.constant 0 : i32
        %dma_wait3A_303 = tpu.memref_slice %arg4[%rem3A_259, %dma_wait3A_301, %dma_wait3A_302] : memref<7x8x2048xf32, #tpu.memory_space<vmem>> -> memref<1x8x2048xf32, #tpu.memory_space<vmem>>
        %dma_wait3A_304 = tpu.memref_squeeze %dma_wait3A_303 : memref<1x8x2048xf32, #tpu.memory_space<vmem>> -> memref<8x2048xf32, #tpu.memory_space<vmem>>
        %dma_wait3A_305 = arith.constant 0 : i32
        %dma_wait3A_306 = tpu.memref_slice %arg3[%add3A_300, %dma_wait3A_305] : memref<4096x2048xf32, #tpu.memory_space<hbm>> -> memref<8x2048xf32, #tpu.memory_space<hbm>>
        %dma_wait3A_307 = tpu.memref_slice %arg6[%rem3A_259] : memref<7x!tpu.dma_semaphore, #tpu.memory_space<semaphore_mem>> -> memref<1x!tpu.dma_semaphore, #tpu.memory_space<semaphore_mem>>
        %dma_wait3A_308 = tpu.memref_squeeze %dma_wait3A_307 : memref<1x!tpu.dma_semaphore, #tpu.memory_space<semaphore_mem>> -> memref<!tpu.dma_semaphore, #tpu.memory_space<semaphore_mem>>
        %dma_wait3A_309 = arith.constant 0 : i32
        %dma_wait3A_310 = tpu.memref_slice %arg3[%add3A_300, %dma_wait3A_309] : memref<4096x2048xf32, #tpu.memory_space<hbm>> -> memref<8x2048xf32, #tpu.memory_space<hbm>>
        %dma_wait3A_311 = arith.constant 0 : i32
        %dma_wait3A_312 = arith.constant 0 : i32
        %dma_wait3A_313 = tpu.memref_slice %arg4[%rem3A_259, %dma_wait3A_311, %dma_wait3A_312] : memref<7x8x2048xf32, #tpu.memory_space<vmem>> -> memref<1x8x2048xf32, #tpu.memory_space<vmem>>
        %dma_wait3A_314 = tpu.memref_squeeze %dma_wait3A_313 : memref<1x8x2048xf32, #tpu.memory_space<vmem>> -> memref<8x2048xf32, #tpu.memory_space<vmem>>
        tpu.wait_dma2 semaphore(%dma_wait3A_308 : memref<!tpu.dma_semaphore, #tpu.memory_space<semaphore_mem>>) src(%dma_wait3A_314 : memref<8x2048xf32, #tpu.memory_space<vmem>>) dst(%dma_wait3A_310 : memref<8x2048xf32, #tpu.memory_space<hbm>>)
        %add3A_315 = arith.constant 7 : i32
        %add3A_316 = arith.addi %scan3A_258, %add3A_315 : i32
        %mul3A_317 = arith.constant 8 : i32
        %mul3A_318 = arith.muli %add3A_316, %mul3A_317 : i32
        %add3A_319 = arith.addi %mul3A_2, %mul3A_318 : i32
        %dma_start3A_320 = arith.constant 0 : i32
        %dma_start3A_321 = arith.constant 0 : i32
        %dma_start3A_322 = tpu.memref_slice %arg4[%rem3A_259, %dma_start3A_320, %dma_start3A_321] : memref<7x8x2048xf32, #tpu.memory_space<vmem>> -> memref<1x8x2048xf32, #tpu.memory_space<vmem>>
        %dma_start3A_323 = tpu.memref_squeeze %dma_start3A_322 : memref<1x8x2048xf32, #tpu.memory_space<vmem>> -> memref<8x2048xf32, #tpu.memory_space<vmem>>
        %dma_start3A_324 = arith.constant 0 : i32
        %dma_start3A_325 = tpu.memref_slice %arg2[%add3A_319, %dma_start3A_324] : memref<8192x2048xf32, #tpu.memory_space<hbm>> -> memref<8x2048xf32, #tpu.memory_space<hbm>>
        %dma_start3A_326 = tpu.memref_slice %arg5[%rem3A_259] : memref<7x!tpu.dma_semaphore, #tpu.memory_space<semaphore_mem>> -> memref<1x!tpu.dma_semaphore, #tpu.memory_space<semaphore_mem>>
        %dma_start3A_327 = tpu.memref_squeeze %dma_start3A_326 : memref<1x!tpu.dma_semaphore, #tpu.memory_space<semaphore_mem>> -> memref<!tpu.dma_semaphore, #tpu.memory_space<semaphore_mem>>
        %dma_start3A_328 = arith.constant 0 : i32
        %dma_start3A_329 = arith.constant 0 : i32
        %dma_start3A_330 = tpu.memref_slice %arg4[%rem3A_259, %dma_start3A_328, %dma_start3A_329] : memref<7x8x2048xf32, #tpu.memory_space<vmem>> -> memref<1x8x2048xf32, #tpu.memory_space<vmem>>
        %dma_start3A_331 = tpu.memref_squeeze %dma_start3A_330 : memref<1x8x2048xf32, #tpu.memory_space<vmem>> -> memref<8x2048xf32, #tpu.memory_space<vmem>>
        %dma_start3A_332 = arith.constant 0 : i32
        %dma_start3A_333 = tpu.memref_slice %arg2[%add3A_319, %dma_start3A_332] : memref<8192x2048xf32, #tpu.memory_space<hbm>> -> memref<8x2048xf32, #tpu.memory_space<hbm>>
        tpu.enqueue_dma source(%dma_start3A_333 : memref<8x2048xf32, #tpu.memory_space<hbm>>) target(%dma_start3A_331 : memref<8x2048xf32, #tpu.memory_space<vmem>>) target_semaphore(%dma_start3A_327 : memref<!tpu.dma_semaphore, #tpu.memory_space<semaphore_mem>>)
      } else {
      }
    }
    %scan3A_132 = arith.constant 16 : i32
    %add3A_133 = arith.constant 72 : i32
    %add3A_134 = arith.addi %mul3A_2, %add3A_133 : i32
    %dma_wait3A = arith.constant 2 : i32
    %dma_wait3A_135 = arith.constant 2 : i32
    %dma_wait3A_136 = arith.constant 0 : i32
    %dma_wait3A_137 = arith.constant 0 : i32
    %dma_wait3A_138 = tpu.memref_slice %arg4[%dma_wait3A, %dma_wait3A_136, %dma_wait3A_137] : memref<7x8x2048xf32, #tpu.memory_space<vmem>> -> memref<1x8x2048xf32, #tpu.memory_space<vmem>>
    %dma_wait3A_139 = tpu.memref_squeeze %dma_wait3A_138 : memref<1x8x2048xf32, #tpu.memory_space<vmem>> -> memref<8x2048xf32, #tpu.memory_space<vmem>>
    %dma_wait3A_140 = arith.constant 0 : i32
    %dma_wait3A_141 = tpu.memref_slice %arg3[%add3A_134, %dma_wait3A_140] : memref<4096x2048xf32, #tpu.memory_space<hbm>> -> memref<8x2048xf32, #tpu.memory_space<hbm>>
    %dma_wait3A_142 = tpu.memref_slice %arg6[%dma_wait3A_135] : memref<7x!tpu.dma_semaphore, #tpu.memory_space<semaphore_mem>> -> memref<1x!tpu.dma_semaphore, #tpu.memory_space<semaphore_mem>>
    %dma_wait3A_143 = tpu.memref_squeeze %dma_wait3A_142 : memref<1x!tpu.dma_semaphore, #tpu.memory_space<semaphore_mem>> -> memref<!tpu.dma_semaphore, #tpu.memory_space<semaphore_mem>>
    %dma_wait3A_144 = arith.constant 0 : i32
    %dma_wait3A_145 = tpu.memref_slice %arg3[%add3A_134, %dma_wait3A_144] : memref<4096x2048xf32, #tpu.memory_space<hbm>> -> memref<8x2048xf32, #tpu.memory_space<hbm>>
    %dma_wait3A_146 = arith.constant 0 : i32
    %dma_wait3A_147 = arith.constant 0 : i32
    %dma_wait3A_148 = tpu.memref_slice %arg4[%dma_wait3A, %dma_wait3A_146, %dma_wait3A_147] : memref<7x8x2048xf32, #tpu.memory_space<vmem>> -> memref<1x8x2048xf32, #tpu.memory_space<vmem>>
    %dma_wait3A_149 = tpu.memref_squeeze %dma_wait3A_148 : memref<1x8x2048xf32, #tpu.memory_space<vmem>> -> memref<8x2048xf32, #tpu.memory_space<vmem>>
    tpu.wait_dma2 semaphore(%dma_wait3A_143 : memref<!tpu.dma_semaphore, #tpu.memory_space<semaphore_mem>>) src(%dma_wait3A_149 : memref<8x2048xf32, #tpu.memory_space<vmem>>) dst(%dma_wait3A_145 : memref<8x2048xf32, #tpu.memory_space<hbm>>)
    %add3A_150 = arith.constant 80 : i32
    %add3A_151 = arith.addi %mul3A_2, %add3A_150 : i32
    %dma_wait3A_152 = arith.constant 3 : i32
    %dma_wait3A_153 = arith.constant 3 : i32
    %dma_wait3A_154 = arith.constant 0 : i32
    %dma_wait3A_155 = arith.constant 0 : i32
    %dma_wait3A_156 = tpu.memref_slice %arg4[%dma_wait3A_152, %dma_wait3A_154, %dma_wait3A_155] : memref<7x8x2048xf32, #tpu.memory_space<vmem>> -> memref<1x8x2048xf32, #tpu.memory_space<vmem>>
    %dma_wait3A_157 = tpu.memref_squeeze %dma_wait3A_156 : memref<1x8x2048xf32, #tpu.memory_space<vmem>> -> memref<8x2048xf32, #tpu.memory_space<vmem>>
    %dma_wait3A_158 = arith.constant 0 : i32
    %dma_wait3A_159 = tpu.memref_slice %arg3[%add3A_151, %dma_wait3A_158] : memref<4096x2048xf32, #tpu.memory_space<hbm>> -> memref<8x2048xf32, #tpu.memory_space<hbm>>
    %dma_wait3A_160 = tpu.memref_slice %arg6[%dma_wait3A_153] : memref<7x!tpu.dma_semaphore, #tpu.memory_space<semaphore_mem>> -> memref<1x!tpu.dma_semaphore, #tpu.memory_space<semaphore_mem>>
    %dma_wait3A_161 = tpu.memref_squeeze %dma_wait3A_160 : memref<1x!tpu.dma_semaphore, #tpu.memory_space<semaphore_mem>> -> memref<!tpu.dma_semaphore, #tpu.memory_space<semaphore_mem>>
    %dma_wait3A_162 = arith.constant 0 : i32
    %dma_wait3A_163 = tpu.memref_slice %arg3[%add3A_151, %dma_wait3A_162] : memref<4096x2048xf32, #tpu.memory_space<hbm>> -> memref<8x2048xf32, #tpu.memory_space<hbm>>
    %dma_wait3A_164 = arith.constant 0 : i32
    %dma_wait3A_165 = arith.constant 0 : i32
    %dma_wait3A_166 = tpu.memref_slice %arg4[%dma_wait3A_152, %dma_wait3A_164, %dma_wait3A_165] : memref<7x8x2048xf32, #tpu.memory_space<vmem>> -> memref<1x8x2048xf32, #tpu.memory_space<vmem>>
    %dma_wait3A_167 = tpu.memref_squeeze %dma_wait3A_166 : memref<1x8x2048xf32, #tpu.memory_space<vmem>> -> memref<8x2048xf32, #tpu.memory_space<vmem>>
    tpu.wait_dma2 semaphore(%dma_wait3A_161 : memref<!tpu.dma_semaphore, #tpu.memory_space<semaphore_mem>>) src(%dma_wait3A_167 : memref<8x2048xf32, #tpu.memory_space<vmem>>) dst(%dma_wait3A_163 : memref<8x2048xf32, #tpu.memory_space<hbm>>)
    %add3A_168 = arith.constant 88 : i32
    %add3A_169 = arith.addi %mul3A_2, %add3A_168 : i32
    %dma_wait3A_170 = arith.constant 4 : i32
    %dma_wait3A_171 = arith.constant 4 : i32
    %dma_wait3A_172 = arith.constant 0 : i32
    %dma_wait3A_173 = arith.constant 0 : i32
    %dma_wait3A_174 = tpu.memref_slice %arg4[%dma_wait3A_170, %dma_wait3A_172, %dma_wait3A_173] : memref<7x8x2048xf32, #tpu.memory_space<vmem>> -> memref<1x8x2048xf32, #tpu.memory_space<vmem>>
    %dma_wait3A_175 = tpu.memref_squeeze %dma_wait3A_174 : memref<1x8x2048xf32, #tpu.memory_space<vmem>> -> memref<8x2048xf32, #tpu.memory_space<vmem>>
    %dma_wait3A_176 = arith.constant 0 : i32
    %dma_wait3A_177 = tpu.memref_slice %arg3[%add3A_169, %dma_wait3A_176] : memref<4096x2048xf32, #tpu.memory_space<hbm>> -> memref<8x2048xf32, #tpu.memory_space<hbm>>
    %dma_wait3A_178 = tpu.memref_slice %arg6[%dma_wait3A_171] : memref<7x!tpu.dma_semaphore, #tpu.memory_space<semaphore_mem>> -> memref<1x!tpu.dma_semaphore, #tpu.memory_space<semaphore_mem>>
    %dma_wait3A_179 = tpu.memref_squeeze %dma_wait3A_178 : memref<1x!tpu.dma_semaphore, #tpu.memory_space<semaphore_mem>> -> memref<!tpu.dma_semaphore, #tpu.memory_space<semaphore_mem>>
    %dma_wait3A_180 = arith.constant 0 : i32
    %dma_wait3A_181 = tpu.memref_slice %arg3[%add3A_169, %dma_wait3A_180] : memref<4096x2048xf32, #tpu.memory_space<hbm>> -> memref<8x2048xf32, #tpu.memory_space<hbm>>
    %dma_wait3A_182 = arith.constant 0 : i32
    %dma_wait3A_183 = arith.constant 0 : i32
    %dma_wait3A_184 = tpu.memref_slice %arg4[%dma_wait3A_170, %dma_wait3A_182, %dma_wait3A_183] : memref<7x8x2048xf32, #tpu.memory_space<vmem>> -> memref<1x8x2048xf32, #tpu.memory_space<vmem>>
    %dma_wait3A_185 = tpu.memref_squeeze %dma_wait3A_184 : memref<1x8x2048xf32, #tpu.memory_space<vmem>> -> memref<8x2048xf32, #tpu.memory_space<vmem>>
    tpu.wait_dma2 semaphore(%dma_wait3A_179 : memref<!tpu.dma_semaphore, #tpu.memory_space<semaphore_mem>>) src(%dma_wait3A_185 : memref<8x2048xf32, #tpu.memory_space<vmem>>) dst(%dma_wait3A_181 : memref<8x2048xf32, #tpu.memory_space<hbm>>)
    %add3A_186 = arith.constant 96 : i32
    %add3A_187 = arith.addi %mul3A_2, %add3A_186 : i32
    %dma_wait3A_188 = arith.constant 5 : i32
    %dma_wait3A_189 = arith.constant 5 : i32
    %dma_wait3A_190 = arith.constant 0 : i32
    %dma_wait3A_191 = arith.constant 0 : i32
    %dma_wait3A_192 = tpu.memref_slice %arg4[%dma_wait3A_188, %dma_wait3A_190, %dma_wait3A_191] : memref<7x8x2048xf32, #tpu.memory_space<vmem>> -> memref<1x8x2048xf32, #tpu.memory_space<vmem>>
    %dma_wait3A_193 = tpu.memref_squeeze %dma_wait3A_192 : memref<1x8x2048xf32, #tpu.memory_space<vmem>> -> memref<8x2048xf32, #tpu.memory_space<vmem>>
    %dma_wait3A_194 = arith.constant 0 : i32
    %dma_wait3A_195 = tpu.memref_slice %arg3[%add3A_187, %dma_wait3A_194] : memref<4096x2048xf32, #tpu.memory_space<hbm>> -> memref<8x2048xf32, #tpu.memory_space<hbm>>
    %dma_wait3A_196 = tpu.memref_slice %arg6[%dma_wait3A_189] : memref<7x!tpu.dma_semaphore, #tpu.memory_space<semaphore_mem>> -> memref<1x!tpu.dma_semaphore, #tpu.memory_space<semaphore_mem>>
    %dma_wait3A_197 = tpu.memref_squeeze %dma_wait3A_196 : memref<1x!tpu.dma_semaphore, #tpu.memory_space<semaphore_mem>> -> memref<!tpu.dma_semaphore, #tpu.memory_space<semaphore_mem>>
    %dma_wait3A_198 = arith.constant 0 : i32
    %dma_wait3A_199 = tpu.memref_slice %arg3[%add3A_187, %dma_wait3A_198] : memref<4096x2048xf32, #tpu.memory_space<hbm>> -> memref<8x2048xf32, #tpu.memory_space<hbm>>
    %dma_wait3A_200 = arith.constant 0 : i32
    %dma_wait3A_201 = arith.constant 0 : i32
    %dma_wait3A_202 = tpu.memref_slice %arg4[%dma_wait3A_188, %dma_wait3A_200, %dma_wait3A_201] : memref<7x8x2048xf32, #tpu.memory_space<vmem>> -> memref<1x8x2048xf32, #tpu.memory_space<vmem>>
    %dma_wait3A_203 = tpu.memref_squeeze %dma_wait3A_202 : memref<1x8x2048xf32, #tpu.memory_space<vmem>> -> memref<8x2048xf32, #tpu.memory_space<vmem>>
    tpu.wait_dma2 semaphore(%dma_wait3A_197 : memref<!tpu.dma_semaphore, #tpu.memory_space<semaphore_mem>>) src(%dma_wait3A_203 : memref<8x2048xf32, #tpu.memory_space<vmem>>) dst(%dma_wait3A_199 : memref<8x2048xf32, #tpu.memory_space<hbm>>)
    %add3A_204 = arith.constant 104 : i32
    %add3A_205 = arith.addi %mul3A_2, %add3A_204 : i32
    %dma_wait3A_206 = arith.constant 6 : i32
    %dma_wait3A_207 = arith.constant 6 : i32
    %dma_wait3A_208 = arith.constant 0 : i32
    %dma_wait3A_209 = arith.constant 0 : i32
    %dma_wait3A_210 = tpu.memref_slice %arg4[%dma_wait3A_206, %dma_wait3A_208, %dma_wait3A_209] : memref<7x8x2048xf32, #tpu.memory_space<vmem>> -> memref<1x8x2048xf32, #tpu.memory_space<vmem>>
    %dma_wait3A_211 = tpu.memref_squeeze %dma_wait3A_210 : memref<1x8x2048xf32, #tpu.memory_space<vmem>> -> memref<8x2048xf32, #tpu.memory_space<vmem>>
    %dma_wait3A_212 = arith.constant 0 : i32
    %dma_wait3A_213 = tpu.memref_slice %arg3[%add3A_205, %dma_wait3A_212] : memref<4096x2048xf32, #tpu.memory_space<hbm>> -> memref<8x2048xf32, #tpu.memory_space<hbm>>
    %dma_wait3A_214 = tpu.memref_slice %arg6[%dma_wait3A_207] : memref<7x!tpu.dma_semaphore, #tpu.memory_space<semaphore_mem>> -> memref<1x!tpu.dma_semaphore, #tpu.memory_space<semaphore_mem>>
    %dma_wait3A_215 = tpu.memref_squeeze %dma_wait3A_214 : memref<1x!tpu.dma_semaphore, #tpu.memory_space<semaphore_mem>> -> memref<!tpu.dma_semaphore, #tpu.memory_space<semaphore_mem>>
    %dma_wait3A_216 = arith.constant 0 : i32
    %dma_wait3A_217 = tpu.memref_slice %arg3[%add3A_205, %dma_wait3A_216] : memref<4096x2048xf32, #tpu.memory_space<hbm>> -> memref<8x2048xf32, #tpu.memory_space<hbm>>
    %dma_wait3A_218 = arith.constant 0 : i32
    %dma_wait3A_219 = arith.constant 0 : i32
    %dma_wait3A_220 = tpu.memref_slice %arg4[%dma_wait3A_206, %dma_wait3A_218, %dma_wait3A_219] : memref<7x8x2048xf32, #tpu.memory_space<vmem>> -> memref<1x8x2048xf32, #tpu.memory_space<vmem>>
    %dma_wait3A_221 = tpu.memref_squeeze %dma_wait3A_220 : memref<1x8x2048xf32, #tpu.memory_space<vmem>> -> memref<8x2048xf32, #tpu.memory_space<vmem>>
    tpu.wait_dma2 semaphore(%dma_wait3A_215 : memref<!tpu.dma_semaphore, #tpu.memory_space<semaphore_mem>>) src(%dma_wait3A_221 : memref<8x2048xf32, #tpu.memory_space<vmem>>) dst(%dma_wait3A_217 : memref<8x2048xf32, #tpu.memory_space<hbm>>)
    %add3A_222 = arith.constant 112 : i32
    %add3A_223 = arith.addi %mul3A_2, %add3A_222 : i32
    %dma_wait3A_224 = arith.constant 0 : i32
    %dma_wait3A_225 = arith.constant 0 : i32
    %dma_wait3A_226 = arith.constant 0 : i32
    %dma_wait3A_227 = arith.constant 0 : i32
    %dma_wait3A_228 = tpu.memref_slice %arg4[%dma_wait3A_224, %dma_wait3A_226, %dma_wait3A_227] : memref<7x8x2048xf32, #tpu.memory_space<vmem>> -> memref<1x8x2048xf32, #tpu.memory_space<vmem>>
    %dma_wait3A_229 = tpu.memref_squeeze %dma_wait3A_228 : memref<1x8x2048xf32, #tpu.memory_space<vmem>> -> memref<8x2048xf32, #tpu.memory_space<vmem>>
    %dma_wait3A_230 = arith.constant 0 : i32
    %dma_wait3A_231 = tpu.memref_slice %arg3[%add3A_223, %dma_wait3A_230] : memref<4096x2048xf32, #tpu.memory_space<hbm>> -> memref<8x2048xf32, #tpu.memory_space<hbm>>
    %dma_wait3A_232 = tpu.memref_slice %arg6[%dma_wait3A_225] : memref<7x!tpu.dma_semaphore, #tpu.memory_space<semaphore_mem>> -> memref<1x!tpu.dma_semaphore, #tpu.memory_space<semaphore_mem>>
    %dma_wait3A_233 = tpu.memref_squeeze %dma_wait3A_232 : memref<1x!tpu.dma_semaphore, #tpu.memory_space<semaphore_mem>> -> memref<!tpu.dma_semaphore, #tpu.memory_space<semaphore_mem>>
    %dma_wait3A_234 = arith.constant 0 : i32
    %dma_wait3A_235 = tpu.memref_slice %arg3[%add3A_223, %dma_wait3A_234] : memref<4096x2048xf32, #tpu.memory_space<hbm>> -> memref<8x2048xf32, #tpu.memory_space<hbm>>
    %dma_wait3A_236 = arith.constant 0 : i32
    %dma_wait3A_237 = arith.constant 0 : i32
    %dma_wait3A_238 = tpu.memref_slice %arg4[%dma_wait3A_224, %dma_wait3A_236, %dma_wait3A_237] : memref<7x8x2048xf32, #tpu.memory_space<vmem>> -> memref<1x8x2048xf32, #tpu.memory_space<vmem>>
    %dma_wait3A_239 = tpu.memref_squeeze %dma_wait3A_238 : memref<1x8x2048xf32, #tpu.memory_space<vmem>> -> memref<8x2048xf32, #tpu.memory_space<vmem>>
    tpu.wait_dma2 semaphore(%dma_wait3A_233 : memref<!tpu.dma_semaphore, #tpu.memory_space<semaphore_mem>>) src(%dma_wait3A_239 : memref<8x2048xf32, #tpu.memory_space<vmem>>) dst(%dma_wait3A_235 : memref<8x2048xf32, #tpu.memory_space<hbm>>)
    %add3A_240 = arith.constant 120 : i32
    %add3A_241 = arith.addi %mul3A_2, %add3A_240 : i32
    %dma_wait3A_242 = arith.constant 1 : i32
    %dma_wait3A_243 = arith.constant 1 : i32
    %dma_wait3A_244 = arith.constant 0 : i32
    %dma_wait3A_245 = arith.constant 0 : i32
    %dma_wait3A_246 = tpu.memref_slice %arg4[%dma_wait3A_242, %dma_wait3A_244, %dma_wait3A_245] : memref<7x8x2048xf32, #tpu.memory_space<vmem>> -> memref<1x8x2048xf32, #tpu.memory_space<vmem>>
    %dma_wait3A_247 = tpu.memref_squeeze %dma_wait3A_246 : memref<1x8x2048xf32, #tpu.memory_space<vmem>> -> memref<8x2048xf32, #tpu.memory_space<vmem>>
    %dma_wait3A_248 = arith.constant 0 : i32
    %dma_wait3A_249 = tpu.memref_slice %arg3[%add3A_241, %dma_wait3A_248] : memref<4096x2048xf32, #tpu.memory_space<hbm>> -> memref<8x2048xf32, #tpu.memory_space<hbm>>
    %dma_wait3A_250 = tpu.memref_slice %arg6[%dma_wait3A_243] : memref<7x!tpu.dma_semaphore, #tpu.memory_space<semaphore_mem>> -> memref<1x!tpu.dma_semaphore, #tpu.memory_space<semaphore_mem>>
    %dma_wait3A_251 = tpu.memref_squeeze %dma_wait3A_250 : memref<1x!tpu.dma_semaphore, #tpu.memory_space<semaphore_mem>> -> memref<!tpu.dma_semaphore, #tpu.memory_space<semaphore_mem>>
    %dma_wait3A_252 = arith.constant 0 : i32
    %dma_wait3A_253 = tpu.memref_slice %arg3[%add3A_241, %dma_wait3A_252] : memref<4096x2048xf32, #tpu.memory_space<hbm>> -> memref<8x2048xf32, #tpu.memory_space<hbm>>
    %dma_wait3A_254 = arith.constant 0 : i32
    %dma_wait3A_255 = arith.constant 0 : i32
    %dma_wait3A_256 = tpu.memref_slice %arg4[%dma_wait3A_242, %dma_wait3A_254, %dma_wait3A_255] : memref<7x8x2048xf32, #tpu.memory_space<vmem>> -> memref<1x8x2048xf32, #tpu.memory_space<vmem>>
    %dma_wait3A_257 = tpu.memref_squeeze %dma_wait3A_256 : memref<1x8x2048xf32, #tpu.memory_space<vmem>> -> memref<8x2048xf32, #tpu.memory_space<vmem>>
    tpu.wait_dma2 semaphore(%dma_wait3A_251 : memref<!tpu.dma_semaphore, #tpu.memory_space<semaphore_mem>>) src(%dma_wait3A_257 : memref<8x2048xf32, #tpu.memory_space<vmem>>) dst(%dma_wait3A_253 : memref<8x2048xf32, #tpu.memory_space<hbm>>)
    return
  }
}

</mosaic_0001>

<sc_bundles>
// kernel: kernel.3.cloned.1.call-start
scs
__scs_entry_jumppad:
0x0: {  	(pc) =	sbr.rel $0x88, $3  }
0x1: {  	(tag) =	ssettag $0x0;
	lr =	simm.s32 $0x1  }
0x2: {  	[smem:$0x3FA0] =	sst lr;
	_ =	strace $0xD0000000  }
0x3: {  	_ = 	snop  }
0x4: {  	_ = 	snop  }
0x5: {  	_ = 	snop  }
0x6: {  	_ = 	snop  }
0x7: {  	_ = 	snop  }
__scs_overlays_trampoline_lowered:
0x8: {  	[smem:$0x3FAF] =	sst s0  }
0x9: {  	[smem:$0x3FB0] =	sst s1  }
0xa: {  	[smem:$0x3FB1] =	sst s2  }
0xb: {  	[smem:$0x3FB2] =	sst s3  }
0xc: {  	[smem:$0x3FB3] =	sst s4  }
0xd: {  	[smem:$0x3FB4] =	sst s5  }
0xe: {  	[smem:$0x3FB5] =	sst s6  }
0xf: {  	[smem:$0x3FB6] =	sst s7  }
0x10: {  	[smem:$0x3FB7] =	sst s8  }
0x11: {  	[smem:$0x3FB8] =	sst s9;
	s0 =	simm.s32 @!p0 $0x0  }
0x12: {  	s1 =	sld [smem:$0x3F9E];
	s0 =	simm.s32 @p0 $0x1  }
0x13: {  	[smem:$0x3FB9] =	sst s0;
	s0 =	simm.s32 @!p1 $0x0  }
0x14: {  	s2 =	sld [smem:$0x3F9D];
	s0 =	simm.s32 @p1 $0x1  }
0x15: {  	[smem:$0x3FBA] =	sst s0;
	s0 =	simm.s32 @!p2 $0x0  }
0x16: {  	s3 =	sld [smem:$0x3FDB];
	s0 =	simm.s32 @p2 $0x1  }
0x17: {  	s4 =	simm.s32 $0x1BF5;
	[smem:$0x3FBC] =	sst s0  }
0x18: {  	s0 =	sld [smem:$0x3F9F];
	_ =	swait.ge [sflag:s4], $0x0  }
0x19: {  	s7 =	sld [smem:$0x3FA0]  }
0x1a: {  	s8 =	sadd.s32 $0xFFFFE003, lr  }
0x1b: {  	s9 =	sadd.s32 $0xFFFFFEF7, lr;
	s5 =	simm.s32 $0xFFFFFFFF;
	p2 =	slt.u32 s8, $0xFFFFF086  }
0x1c: {  	p1 =	slt.u32 s9, $0xF7A;
	s5 =	simm.s32 @!p2 $0x0  }
0x1d: {  	s5 =	simm.s32 @p1 $0x1;
	p0 =	seq.s32 s7, s2  }
0x1e: {  	s7 =	smul.u32 @!p0 $0xF7A, s2;
	p2 =	seq.s32 @!p0 s5, $0x0  }
0x1f: {  	s9 =	smul.u32 $0xF7A, s1;
	s8 =	simm.s32 @!p0 $0x1BF5;
	p2 =	por !p2, p0  }
0x20: {  	[sflag:s8] =	ssyncset.s32 @!p0 $0xFFFFF086;
	s6 =	sadd.s32 @!p0 s3, s7;
	s7 =	simm.s32 @!p0 $0x108  }
0x21: {  	s3 =	sadd.s32 s3, s9;
	s6 =	sadd.s32 @!p0 $0x88, s6;
	s7 =	simm.s32 @p2 $0x1082  }
0x22: {  	[simem:s7], [sflag:s8] =	dma.local @!p0 [hbm:s6], $0xF7A  }
0x23: {  	s9 =	sor.u32 $0xD0000000, s2;
	s6 =	simm.s32 $0x108;
	_ =	swait.ge @!p0 [sflag:s8], $0x0  }
0x24: {  	s3 =	sadd.s32 $0x88, s3;
	s6 =	simm.s32 @!p1 $0x1082;
	[sflag:s4] =	ssyncset.s32 $0xFFFFF086  }
0x25: {  	[simem:s6], [sflag:s4] =	dma.local [hbm:s3], $0xF7A  }
0x26: {  	[smem:$0x3FA0] =	sst s1;
	(tag) =	ssettag s2;
	_ =	strace s9  }
0x27: {  	s1 =	sld [smem:$0x3FB0]  }
0x28: {  	s2 =	sld [smem:$0x3FB1]  }
0x29: {  	s4 =	sld [smem:$0x3FB3]  }
0x2a: {  	p0 =	seq.s32 s5, $0x0;
	s5 =	sld [smem:$0x3FB4]  }
0x2b: {  	s6 =	sld [smem:$0x3FB5]  }
0x2c: {  	s7 =	sld [smem:$0x3FB6]  }
0x2d: {  	s3 =	simm.s32 $0x108;
	s8 =	sld [smem:$0x3FB7]  }
0x2e: {  	s3 =	simm.s32 @!p0 $0x1082;
	s9 =	sld [smem:$0x3FB8]  }
0x2f: {  	lr =	sadd.s32 s0, s3;
	s0 =	sld [smem:$0x3FAF]  }
0x30: {  	s3 =	sld [smem:$0x3FB2]  }
0x31: {  	[smem:$0x3FBB] =	sst s10  }
0x32: {  	s10 =	sld [smem:$0x3FB9];
	_ =	sdelay $0x3  }
0x33: {  	p0 =	seq.s32 s10, $0x1;
	s10 =	sld [smem:$0x3FBB];
	_ =	sdelay $0x3  }
0x34: {  	[smem:$0x3FBB] =	sst s10  }
0x35: {  	s10 =	sld [smem:$0x3FBA];
	_ =	sdelay $0x3  }
0x36: {  	p1 =	seq.s32 s10, $0x1;
	s10 =	sld [smem:$0x3FBB];
	_ =	sdelay $0x3  }
0x37: {  	[smem:$0x3FBB] =	sst s10  }
0x38: {  	s10 =	sld [smem:$0x3FBC]  }
0x39: {  	_ = 	snop;
	(pc) =	sbr.ind lr, $3  }
0x3a: {  	_ = 	snop  }
0x3b: {  	_ = 	snop  }
0x3c: {  	p2 =	seq.s32 s10, $0x1;
	s10 =	sld [smem:$0x3FBB]  }
0x3d: {  	_ =	shalt  }
0x3e: {  	_ =	shalt  }
0x3f: {  	_ =	shalt  }
0x40: {  	_ =	shalt  }
0x41: {  	_ =	shalt  }
0x42: {  	_ =	shalt  }
0x43: {  	_ =	shalt  }
0x44: {  	_ =	shalt  }
0x45: {  	_ =	shalt  }
0x46: {  	_ =	shalt  }
0x47: {  	_ =	shalt  }
0x48: {  	_ =	shalt  }
0x49: {  	_ =	shalt  }
0x4a: {  	_ =	shalt  }
0x4b: {  	_ =	shalt  }
0x4c: {  	_ =	shalt  }
0x4d: {  	_ =	shalt  }
0x4e: {  	_ =	shalt  }
0x4f: {  	_ =	shalt  }
0x50: {  	_ =	shalt  }
0x51: {  	_ =	shalt  }
0x52: {  	_ =	shalt  }
0x53: {  	_ =	shalt  }
0x54: {  	_ =	shalt  }
0x55: {  	_ =	shalt  }
0x56: {  	_ =	shalt  }
0x57: {  	_ =	shalt  }
0x58: {  	_ =	shalt  }
0x59: {  	_ =	shalt  }
0x5a: {  	_ =	shalt  }
0x5b: {  	_ =	shalt  }
0x5c: {  	_ =	shalt  }
0x5d: {  	_ =	shalt  }
0x5e: {  	_ =	shalt  }
0x5f: {  	_ =	shalt  }
0x60: {  	_ =	shalt  }
0x61: {  	_ =	shalt  }
0x62: {  	_ =	shalt  }
0x63: {  	_ =	shalt  }
0x64: {  	_ =	shalt  }
0x65: {  	_ =	shalt  }
0x66: {  	_ =	shalt  }
0x67: {  	_ =	shalt  }
0x68: {  	_ =	shalt  }
0x69: {  	_ =	shalt  }
0x6a: {  	_ =	shalt  }
0x6b: {  	_ =	shalt  }
0x6c: {  	_ =	shalt  }
0x6d: {  	_ =	shalt  }
0x6e: {  	_ =	shalt  }
0x6f: {  	_ =	shalt  }
0x70: {  	_ =	shalt  }
0x71: {  	_ =	shalt  }
0x72: {  	_ =	shalt  }
0x73: {  	_ =	shalt  }
0x74: {  	_ =	shalt  }
0x75: {  	_ =	shalt  }
0x76: {  	_ =	shalt  }
0x77: {  	_ =	shalt  }
0x78: {  	_ =	shalt  }
0x79: {  	_ =	shalt  }
0x7a: {  	_ =	shalt  }
0x7b: {  	_ =	shalt  }
0x7c: {  	_ =	shalt  }
0x7d: {  	_ =	shalt  }
0x7e: {  	_ =	shalt  }
0x7f: {  	_ =	shalt  }
0x80: {  	_ =	shalt  }
0x81: {  	_ =	shalt  }
0x82: {  	_ =	shalt  }
0x83: {  	_ =	shalt  }
0x84: {  	_ =	shalt  }
0x85: {  	_ =	shalt  }
0x86: {  	_ =	shalt  }
0x87: {  	_ =	shalt  }
.Lfunc_end0:
.L_simem_size_0:
called_computation_lowered:
.L_overlay_start_0:
0x88: {  	s2 =	sld [smem:$0x3FD9]  }
0x89: {  	s3 =	sld [smem:$0x3FFE];
	_ =	sdelay $0x1  }
0x8a: {  	s1 =	srdreg.scid  }
0x8b: {  	s0 =	sand.u32 $0x1, s1  }
0x8c: {  	s18 =	sshll.u32 s0, $0xA;
	s2 =	sadd.s32 s3, s2  }
0x8d: {  	s2 =	sadd.s32 s2, s18  }
0x8e: {  	[smem:$0x3FC7] =	sst s2  }
0x8f: {  	_ = 	snop  }
0x90: {  	s2 =	sld [smem:$0x3FC9]  }
0x91: {  	s19 =	sld [smem:$0x3FD0];
	(tm) =	ssettm $0x1  }
0x92: {  	s4 =	sld [smem:$0x3FFB];
	_ =	sdelay $0x3  }
0x93: {  	_ =	strace s4  }
0x94: {  	s4 =	sld [smem:$0x3FFC];
	_ =	sdelay $0x3  }
0x95: {  	_ =	strace s4  }
0x96: {  	s4 =	sld [smem:$0x3FFD];
	_ =	sdelay $0x3  }
0x97: {  	_ =	strace s4  }
0x98: {  	_ =	strace $0x8FFFFFFF  }
0x99: {  	s20 =	sld [smem:$0x3FDB];
	_ =	sdelay $0x1  }
0x9a: {  	s5 =	simm.s32 $_scs_section_size  }
0x9b: {  	s6 =	simm.s32 $_size__tile_overlayer_lowered;
	s7 =	simm.s32 $_tile_overlayer_lowered  }
0x9c: {  	s23 =	simm.s32 $0x1BFF;
	s22 =	sshll.u32 s7, $0x1;
	s4 =	sadd.s32 s5, s20  }
0x9d: {  	s8 =	simm.s32 $0x0;
	s21 =	sshll.u32 s6, $0x1;
	s6 =	sadd.s32 s22, s4  }
0x9e: {  	[timem:s8], [sflag:s23] =	dma.local [hbm:s6], s21  }
0x9f: {  	_ =	swait.ge [sflag:s23], s21  }
0xa0: {  	s5 =	ssub.s32 $0x0, s21;
	[sflag:s23] =	ssyncset.done $0x0  }
0xa1: {  	[sflag:s23] =	ssyncadd.s32 s5;
	_ =	sdelay $0x1  }
0xa2: {  	s24 =	simm.s32 $0x1B8B  }
0xa3: {  	_ =	swait.ge [sflag:s24], $0x1  }
0xa4: {  	[sflag:s24] =	ssyncset.done $0x0  }
0xa5: {  	s25 =	simm.s32 $0x1B8E;
	[sflag:s24] =	ssyncadd.s32 $0xFFFFFFFF  }
0xa6: {  	s26 =	simm.s32 $execute0_lowered;
	[smem:$0x3FD2] =	sst s25  }
0xa7: {  	s5 =	sshll.u32 s26, $0x1;
	_ =	strace $0x80000046;
	[dreg:$0x1] =	wrdreg $0xFFFFFFFF  }
0xa8: {  	s28 =	simm.s32 $_size_execute0_lowered;
	s4 =	sadd.s32 s4, s5;
	[dreg:$0x0] =	wrdreg $0x0  }
0xa9: {  	s5 =	sshll.u32 s28, $0x1;
	[dreg:$0x2] =	wrdreg s4  }
0xaa: {  	[dreg:$0x3] =	wrdreg s5  }
0xab: {  	[dreg:$0x4] =	wrdreg $0xC0  }
0xac: {  	_ =	task [dreg:s8], $0x5FFFF  }
0xad: {  	[dreg:$0x1] =	wrdreg $0xFFFFFFFF  }
0xae: {  	[dreg:$0x0] =	wrdreg $0x60  }
0xaf: {  	[dreg:$0x2] =	wrdreg s2  }
0xb0: {  	[dreg:$0x3] =	wrdreg s19  }
0xb1: {  	[dreg:$0x4] =	wrdreg $0x9  }
0xb2: {  	_ =	task.clear_ibuf [dreg:s8], $0x5FFFF;
	_ =	strace $0x90000046  }
0xb3: {  	s29 =	simm.s32 $0x9;
	_ =	strace $0x80000048  }
0xb4: {  	_ =	swait.ge [sflag:s29], $0x1  }
0xb5: {  	[sflag:s29] =	ssyncadd.s32 $0xFFFFFFFF  }
0xb6: {  	_ =	strace $0x90000048  }
0xb7: {  	_ =	sfence  }
0xb8: {  	s30 =	sld [smem:$0x0];
	_ =	sdelay $0x2  }
0xb9: {  	s31 =	sshll.u32 s1, $0xD;
	s1 =	sshrl.u32 s1, $0x2  }
0xba: {  	s3 =	sand.u32 $0x4000, s31;
	s1 =	sadd.s32 s1, s30  }
0xbb: {  	s0 =	sor.u32 s3, s0;
	s1 =	sshll.u32 s1, $0x11  }
0xbc: {  	s0 =	sor.u32 s1, s0  }
0xbd: {  	s0 =	sadd.s32 $0x8F2B, s0  }
0xbe: {  	[sflag:s0] =	ssyncadd.remote.s32 $0x1  }
0xbf: {  	_ =	sfence.sel $0xFFFF  }
0xc0: {  	[dreg:$0x0] =	wrdreg $0xFFFFFFFF;
	(pc) =	sbr.abs _section_cstart, $3  }
0xc1: {  	[dreg:$0x1] =	wrdreg $0xFFFFFFFF  }
0xc2: {  	_ =	task.clear_ibuf [dreg:s8], $0x2FFFF;
	_ =	strace $0x9FFFFFFF  }
0xc3: {  	(tm) =	ssettm $0x7FFFFFFF  }
tec
execute0_lowered:
.L_overlay_start_1:
0x0: {  	(tag) =	ssettag $0x1  }
0x1: {  	s0 =	rddreg [dreg:$0x0]  }
0x2: {  	s1 =	rddreg [dreg:$0x1]  }
0x3: {  	s2 =	srdreg.scid;
	s4 =	stileid.u32  }
0x4: {  	s19 =	simm.s32 $0xA;
	s20 =	simm.s32 $0xB;
	s21 =	simm.s32 $0xC  }
0x5: {  	s22 =	simm.s32 $0xD;
	s23 =	simm.s32 $0xE;
	s24 =	simm.s32 $0x8  }
0x6: {  	s25 =	simm.s32 $0x9;
	s26 =	simm.s32 $0x0;
	s3 =	sand.u32 $0x1, s2  }
0x7: {  	s2 =	simm.s32 $0x0;
	s4 =	sshll.u32 s4, $0x10;
	s5 =	sshll.u32 s3, $0xF  }
0x8: {  	[smem:$0x7FF] =	sst s2;
	s6 =	ssub.s32 $0x2, s3;
	s12 =	sor.u32 s5, s4  }
0x9: {  	_ =	strace $0x80000047;
	s28 =	sshrl.u32 s6, $0x1;
	s3 =	sadd.s32 s12, s0  }
0xa: {  	s29 =	ssub.s32 s6, s28;
	s0 =	sadd.s32 s12, s1;
	s30 =	sadd.s32 $0x800, s3  }
0xb: {  	s31 =	sadd.s32 $0x1000, s3;
	s6 =	sadd.s32 $0x1800, s3;
	s7 =	sadd.s32 $0x2000, s3  }
0xc: {  	s8 =	sadd.s32 $0x2800, s3;
	s9 =	sadd.s32 $0x3000, s3;
	[dreg:$0x3] =	wrdreg s30  }
0xd: {  	s10 =	smax.u32 s29, $0x1;
	s11 =	sadd.s32 $0x3800, s3;
	[dreg:$0x4] =	wrdreg s31  }
.LBB2_1:
0xe: {  	[tilespmem:s2], [sflag:$0x1] =	stream.linear.gather [hbm4b:s3+s2], $0x4000, $0x38;
	[tilespmem:$0x1C000] =	vst v63  }
0xf: {  	s1 =	rddreg [dreg:$0x3];
	s4 =	simm.s32 $0x4000;
	s16 =	smul.u32 $0x25, s2  }
0x10: {  	[tilespmem:s4], [sflag:$0x2] =	stream.linear.gather [hbm4b:s1+s2], $0x4000, $0x38;
	[tilespmem:$0x1C000] =	vst v63  }
0x11: {  	s5 =	rddreg [dreg:$0x4];
	s12 =	simm.s32 $0x8000;
	s1 =	sshrl.u32 s16, $0x8  }
0x12: {  	[tilespmem:s12], [sflag:$0x3] =	stream.linear.gather [hbm4b:s5+s2], $0x4000, $0x38;
	[tilespmem:$0x1C000] =	vst v63  }
0x13: {  	s12 =	ssub.s32 $0x0, s1  }
0x14: {  	s13 =	simm.s32 $0xC000;
	s28 =	simm.s32 $0x1;
	s12 =	sand.u32 $0xFE, s12  }
0x15: {  	[tilespmem:s13], [sflag:$0x4] =	stream.linear.gather [hbm4b:s6+s2], $0x4000, $0x38;
	[tilespmem:$0x1C000] =	vst v63  }
0x16: {  	s14 =	simm.s32 $0x10000;
	s13 =	smul.u32 $0x25, s28;
	s12 =	sshrl.u32 s12, $0x1  }
0x17: {  	[tilespmem:s14], [sflag:$0x5] =	stream.linear.gather [hbm4b:s7+s2], $0x4000, $0x38;
	[tilespmem:$0x1C000] =	vst v63  }
0x18: {  	s1 =	sadd.s32 s1, s12;
	s18 =	sshrl.u32 s13, $0x8  }
0x19: {  	s15 =	simm.s32 $0x14000;
	s1 =	sand.u32 $0xFC, s1;
	s13 =	ssub.s32 $0x1, s18  }
0x1a: {  	[tilespmem:s15], [sflag:$0x6] =	stream.linear.gather [hbm4b:s8+s2], $0x4000, $0x38;
	[tilespmem:$0x1C000] =	vst v63  }
0x1b: {  	s17 =	simm.s32 $0x18000;
	s1 =	sshrl.u32 s1, $0x2;
	s13 =	sand.u32 $0xFE, s13  }
0x1c: {  	s30 =	sadd.s32 $0x800, s0;
	s14 =	smul.u32 $0x7, s1;
	s13 =	sshrl.u32 s13, $0x1  }
0x1d: {  	[tilespmem:s17], [sflag:$0x7] =	stream.linear.gather [hbm4b:s9+s2], $0x4000, $0x38;
	[tilespmem:$0x1C000] =	vst v63  }
0x1e: {  	s29 =	smov.u32 s11;
	s31 =	smov.u32 s11;
	s12 =	sadd.s32 s18, s13  }
0x1f: {  	s1 =	simm.s32 $0x2;
	s14 =	ssub.s32 $0x0, s14;
	s13 =	sand.u32 $0xFC, s12  }
0x20: {  	s15 =	sand.u32 $0xFF, s14;
	s12 =	smov.u32 s0;
	s14 =	simm.s32 $0x0  }
.LBB2_2:
0x21: {  	s16 =	sadd.s32 $0x1, s15;
	s29 =	sadd.s32 $0x800, s29;
	s17 =	smov.u32 s1  }
0x22: {  	s1 =	sadd.s32 $0x1, s1;
	s18 =	smov.u32 s12;
	s12 =	smov.u32 s30  }
0x23: {  	s4 =	sor.u32 $0x8, s15;
	p0 =	sne.s32 s1, $0x10;
	_ =	swait.ge [sflag:s16], $0x4000  }
0x24: {  	p1 =	sgt.u32 s14, $0x8;
	s15 =	sshll.u32 s15, $0xE;
	[sflag:s16] =	ssyncset.done $0x0  }
0x25: {  	s13 =	sshrl.u32 s13, $0x2;
	s14 =	smul.u32 $0x25, s17;
	[sflag:s16] =	ssyncadd.s32 $0xFFFFC000  }
0x26: {  	[hbm4b:s18+s2] =	stream.linear.scatter [tilespmem:s15], [sflag:s4], $0x4000, $0x38;
	[tilespmem:$0x1C000] =	vst v63  }
0x27: {  	s18 =	sshrl.u32 s14, $0x8;
	s14 =	smov.u32 s28;
	_ =	swait.ge @!p1 [sflag:s4], $0x4000  }
0x28: {  	s5 =	simm.s32 @!p1 $0x0;
	s28 =	ssub.s32 s17, s18;
	[sflag:s4] =	ssyncset.done @!p1 $0x0  }
.Ltmp0:
0x29: {  	s28 =	sand.u32 $0xFE, s28;
	[sflag:s4] =	ssyncadd.s32 @!p1 $0xFFFFC000;
	(pc) =	sbr.rel @p0 .LBB2_2-.Ltmp0, $4  }
0x2a: {  	s13 =	smul.u32 $0x7, s13;
	s4 =	sshrl.u32 s28, $0x1;
	s28 =	smov.u32 s17  }
0x2b: {  	[tilespmem:s15], [sflag:s16] =	stream.linear.gather @!p1 [hbm4b:s31+s5], $0x4000, $0x38;
	[tilespmem:$0x1C000] =	vst v63  }
0x2c: {  	s4 =	sadd.s32 s18, s4;
	s5 =	ssub.s32 s14, s13;
	s31 =	smov.u32 s29  }
0x2d: {  	s30 =	sadd.s32 $0x800, s30;
	s13 =	sand.u32 $0xFC, s4;
	s15 =	sand.u32 $0xFF, s5  }
0x2e: {  	s1 =	sadd.s32 $0x1, s15  }
0x2f: {  	_ =	swait.ge [sflag:s1], $0x4000  }
0x30: {  	s4 =	sor.u32 $0x8, s15;
	[sflag:s1] =	ssyncset.done $0x0  }
0x31: {  	p0 =	sgt.u32 s14, $0x8;
	s5 =	sshll.u32 s15, $0xE;
	[sflag:s1] =	ssyncadd.s32 $0xFFFFC000  }
0x32: {  	[hbm4b:s12+s2] =	stream.linear.scatter [tilespmem:s5], [sflag:s4], $0x4000, $0x38;
	[tilespmem:$0x1C000] =	vst v63  }
0x33: {  	_ =	swait.ge @!p0 [sflag:s4], $0x4000  }
0x34: {  	s17 =	sshrl.u32 s13, $0x2;
	[sflag:s4] =	ssyncset.done @!p0 $0x0  }
0x35: {  	s13 =	simm.s32 @!p0 $0x0;
	s18 =	smul.u32 $0x7, s17;
	[sflag:s4] =	ssyncadd.s32 @!p0 $0xFFFFC000  }
0x36: {  	[tilespmem:s5], [sflag:s1] =	stream.linear.gather @!p0 [hbm4b:s31+s13], $0x4000, $0x38;
	[tilespmem:$0x1C000] =	vst v63  }
0x37: {  	s31 =	ssub.s32 s28, s18  }
0x38: {  	s1 =	sand.u32 $0xFF, s31  }
0x39: {  	s4 =	sadd.s32 $0x1, s1  }
0x3a: {  	_ =	swait.ge [sflag:s4], $0x4000  }
0x3b: {  	p0 =	sgt.u32 s28, $0x8;
	[sflag:s4] =	ssyncset.done $0x0  }
0x3c: {  	s5 =	sor.u32 $0x8, s1;
	s1 =	sshll.u32 s1, $0xE;
	[sflag:s4] =	ssyncadd.s32 $0xFFFFC000  }
0x3d: {  	[hbm4b:s30+s2] =	stream.linear.scatter [tilespmem:s1], [sflag:s5], $0x4000, $0x38;
	[tilespmem:$0x1C000] =	vst v63  }
0x3e: {  	_ =	swait.ge @!p0 [sflag:s5], $0x4000  }
0x3f: {  	[sflag:s5] =	ssyncset.done @!p0 $0x0  }
0x40: {  	s12 =	sadd.s32 $0x800, s29;
	s13 =	simm.s32 @!p0 $0x0;
	[sflag:s5] =	ssyncadd.s32 @!p0 $0xFFFFC000  }
0x41: {  	[tilespmem:s1], [sflag:s4] =	stream.linear.gather @!p0 [hbm4b:s12+s13], $0x4000, $0x38;
	[tilespmem:$0x1C000] =	vst v63  }
0x42: {  	_ =	swait.ge [sflag:s19], $0x4000  }
0x43: {  	[sflag:s19] =	ssyncset.done $0x0  }
0x44: {  	[sflag:s19] =	ssyncadd.s32 $0xFFFFC000  }
0x45: {  	_ =	swait.ge [sflag:s20], $0x4000  }
0x46: {  	[sflag:s20] =	ssyncset.done $0x0  }
0x47: {  	[sflag:s20] =	ssyncadd.s32 $0xFFFFC000  }
0x48: {  	_ =	swait.ge [sflag:s21], $0x4000  }
0x49: {  	[sflag:s21] =	ssyncset.done $0x0  }
0x4a: {  	[sflag:s21] =	ssyncadd.s32 $0xFFFFC000  }
0x4b: {  	_ =	swait.ge [sflag:s22], $0x4000  }
0x4c: {  	[sflag:s22] =	ssyncset.done $0x0  }
0x4d: {  	[sflag:s22] =	ssyncadd.s32 $0xFFFFC000  }
0x4e: {  	_ =	swait.ge [sflag:s23], $0x4000  }
0x4f: {  	[sflag:s23] =	ssyncset.done $0x0  }
0x50: {  	s26 =	sadd.s32 $0x1, s26;
	[sflag:s23] =	ssyncadd.s32 $0xFFFFC000  }
0x51: {  	p0 =	sne.s32 s26, s10;
	_ =	swait.ge [sflag:s24], $0x4000  }
.Ltmp1:
0x52: {  	[sflag:s24] =	ssyncset.done $0x0;
	(pc) =	sbr.rel @p0 .LBB2_1-.Ltmp1, $4  }
0x53: {  	[sflag:s24] =	ssyncadd.s32 $0xFFFFC000  }
0x54: {  	_ =	swait.ge [sflag:s25], $0x4000  }
0x55: {  	[sflag:s25] =	ssyncset.done $0x0  }
0x56: {  	[sflag:s25] =	ssyncadd.s32 $0xFFFFC000  }
0x57: {  	_ =	sfence.sel $0x180000  }
0x58: {  	[bflag:$0x0] =	sbarrier.arrive $0xFFFF  }
0x59: {  	_ =	strace $0x90000047  }
0x5a: {  	s0 =	stileid.u32;
	[bflag:$0x2] =	sbarrier.arrive $0xFFFF  }
0x5b: {  	p0 =	sne.s32 s0, $0x0;
	s0 =	rddreg [dreg:$0x2]  }
0x5c: {  	s0 =	sadd.s32 @!p0 $0x100000, s0  }
0x5d: {  	[sflag:s0] =	ssyncadd.tile.s32 @!p0 $0x1;
	_ =	shalt  }
.Lfunc_end2:
_tile_overlayer_lowered:
.L_overlay_start_2:
0x5e: {  	(tag) =	ssettag $0x2  }
0x5f: {  	s0 =	rddreg [dreg:$0x0];
	s2 =	stileid.u32  }
0x60: {  	s1 =	rddreg [dreg:$0x1];
	p0 =	sne.s32 s2, $0x0  }
0x61: {  	s3 =	rddreg [dreg:$0x2];
	[bflag:$0x3] =	sbarrier.arrive $0xFFFF;
	s2 =	simm.s32 @!p0 $0x1C0F  }
0x62: {  	[timem:s3], [sflag:s2] =	dma.local @!p0 [hbm:s0], s1  }
0x63: {  	s0 =	simm.s32 @!p0 $0xF  }
0x64: {  	_ =	swait.ge @!p0 [sflag:s0], s1  }
0x65: {  	s1 =	ssub.s32 @!p0 $0x0, s1;
	[sflag:s0] =	ssyncset.done @!p0 $0x0  }
0x66: {  	[sflag:s0] =	ssyncadd.s32 @!p0 s1  }
0x67: {  	[bflag:$0x3] =	sbarrier.arrive $0xFFFF  }
0x68: {  	_ =	shalt  }

</sc_bundles>
